<compile_context>
chip_gen: v7x
topology: tpu7x:2x2x1
jax: 0.10.2.dev20260603
libtpu: 0.0.44.dev20260713+nightly
codegen_flags: <defaults>
</compile_context>

<pallas_src>
import functools

import jax
import jax.numpy as jnp
from jax import lax
from jax.experimental import pallas as pl
from jax.experimental.pallas import tpu as pltpu
from jax.experimental.pallas import tpu_sc as plsc

_D = 128


@functools.lru_cache(maxsize=None)
def _probe(B: int, C: int, NBUF: int):
    info = plsc.get_sparse_core_info()
    NC, NS = info.num_cores, info.num_subcores
    NW = NC * NS
    b_per_w = B // NW
    n_chunks = b_per_w // C
    assert b_per_w % C == 0
    assert (n_chunks - NBUF) % NBUF == 0
    mesh = plsc.VectorSubcoreMesh(core_axis_name="c", subcore_axis_name="s")

    @functools.partial(
        pl.kernel,
        mesh=mesh,
        out_type=jax.ShapeDtypeStruct((B, _D), jnp.float32),
        scratch_types=(
            [pltpu.VMEM((NBUF, C, _D), jnp.float32)]
            + [pltpu.SemaphoreType.DMA for _ in range(NBUF)]
        ),
    )
    def k(idx_hbm, table_hbm, out_hbm, rows_v, *ssem):
        sid = lax.axis_index("s")
        wid = sid * NC + lax.axis_index("c")
        base = wid * b_per_w

        def issue_store(i, b):
            off = base + i * C
            pltpu.async_copy(rows_v.at[b], out_hbm.at[pl.ds(off, C)], ssem[b])

        def wait_store(b):
            pltpu.make_async_copy(
                rows_v.at[b], out_hbm.at[pl.ds(base, C)], ssem[b]
            ).wait()

        for b in range(NBUF):
            issue_store(b, b)

        def body(s, carry):
            for t in range(NBUF):
                j = NBUF + NBUF * s + t
                wait_store(t)
                issue_store(j, t)
            return carry

        lax.fori_loop(0, (n_chunks - NBUF) // NBUF, body, 0)
        for b in range(NBUF):
            wait_store(b)

    return k


def kernel(atype, table):
    nf, nloc = atype.shape
    B = nf * nloc
    flat = atype.reshape(B)
    out = _probe(B, 400, 2)(flat, table)
    return out.reshape(nf, nloc, _D)

# --- scband reference (transcript-rebuilt; emitter-appended) ---
"""Pipeline reference for scband-type-embed-net-38019050504713 (READ-ONLY COPY).

The authoritative reference and input builder live on the scoring server;
editing this copy changes nothing except your own understanding.
"""

import jax, jax.numpy as jnp
import numpy as np

TYPE_NUMS = 1000
EMBED_DIM = 128
NFRAMES = 4096
NLOC = 200


def setup_inputs(seed: int = 0) -> dict:
    key = jax.random.key(seed)
    k1, k2 = jax.random.split(key)
    # atype values in [0, TYPE_NUMS], where TYPE_NUMS is the padding index
    atype = jax.random.randint(k1, (NFRAMES, NLOC), 0, TYPE_NUMS + 1).astype(jnp.int32)
    # nn.Embedding weight: (type_nums + 1, embed_dim); padding row zeroed (torch zeros padding_idx at init)
    table = jax.random.normal(k2, (TYPE_NUMS + 1, EMBED_DIM), dtype=jnp.float32)
    table = table.at[TYPE_NUMS].set(0.0)
    return {"atype": atype, "table": table}


def reference(atype, table):
    # nn.Embedding forward: gather rows of the table by index
    return jnp.take(table, atype, axis=0)

if __name__ == "__main__":
    import jax
    _d = setup_inputs()
    print(jax.jit(kernel)(*tuple(_d.values())))

</pallas_src>

<mosaic_0001>
#map = affine_map<(d0, d1) -> (0)>
#map1 = affine_map<(d0, d1) -> (0, 0)>
module attributes {stable_mosaic.version = 14 : i64} {
  func.func @k(%arg0: i32, %arg1: i32, %arg2: memref<819200xi32, #tpu.memory_space<hbm>>, %arg3: memref<1001x128xf32, #tpu.memory_space<hbm>>, %arg4: memref<819200x128xf32, #tpu.memory_space<hbm>>, %arg5: memref<2x400x128xf32, #tpu.memory_space<vmem>>, %arg6: memref<!tpu.dma_semaphore, #tpu.memory_space<semaphore_mem>>, %arg7: memref<!tpu.dma_semaphore, #tpu.memory_space<semaphore_mem>>) attributes {dimension_semantics = [#tpu.dimension_semantics<core_parallel>, #tpu.dimension_semantics<subcore_parallel>], iteration_bounds = array<i64: 2, 16>, scalar_prefetch = 0 : i64, scratch_operands = 3 : i64, tpu.core_type = #tpu.core_type<sc_vector_subcore>, window_params = [{transform_indices = #map}, {transform_indices = #map1}, {transform_indices = #map1}]} {
    %mul3A = arith.constant 2 : i32
    %mul3A_0 = arith.muli %arg1, %mul3A : i32
    %add3A = arith.addi %mul3A_0, %arg0 : i32
    %mul3A_1 = arith.constant 25600 : i32
    %mul3A_2 = arith.muli %add3A, %mul3A_1 : i32
    %add3A_3 = arith.constant 0 : i32
    %add3A_4 = arith.addi %mul3A_2, %add3A_3 : i32
    %dma_start3A = arith.constant 0 : i32
    %dma_start3A_5 = arith.constant 0 : i32
    %dma_start3A_6 = arith.constant 0 : i32
    %dma_start3A_7 = tpu.memref_slice %arg5[%dma_start3A, %dma_start3A_5, %dma_start3A_6] : memref<2x400x128xf32, #tpu.memory_space<vmem>> -> memref<1x400x128xf32, #tpu.memory_space<vmem>>
    %dma_start3A_8 = tpu.memref_squeeze %dma_start3A_7 : memref<1x400x128xf32, #tpu.memory_space<vmem>> -> memref<400x128xf32, #tpu.memory_space<vmem>>
    %dma_start3A_9 = arith.constant 0 : i32
    %dma_start3A_10 = tpu.memref_slice %arg4[%add3A_4, %dma_start3A_9] : memref<819200x128xf32, #tpu.memory_space<hbm>> -> memref<400x128xf32, #tpu.memory_space<hbm>>
    %dma_start3A_11 = arith.constant 0 : i32
    %dma_start3A_12 = tpu.memref_slice %arg4[%add3A_4, %dma_start3A_11] : memref<819200x128xf32, #tpu.memory_space<hbm>> -> memref<400x128xf32, #tpu.memory_space<hbm>>
    %dma_start3A_13 = arith.constant 0 : i32
    %dma_start3A_14 = arith.constant 0 : i32
    %dma_start3A_15 = tpu.memref_slice %arg5[%dma_start3A, %dma_start3A_13, %dma_start3A_14] : memref<2x400x128xf32, #tpu.memory_space<vmem>> -> memref<1x400x128xf32, #tpu.memory_space<vmem>>
    %dma_start3A_16 = tpu.memref_squeeze %dma_start3A_15 : memref<1x400x128xf32, #tpu.memory_space<vmem>> -> memref<400x128xf32, #tpu.memory_space<vmem>>
    tpu.enqueue_dma source(%dma_start3A_16 : memref<400x128xf32, #tpu.memory_space<vmem>>) target(%dma_start3A_12 : memref<400x128xf32, #tpu.memory_space<hbm>>) target_semaphore(%arg6 : memref<!tpu.dma_semaphore, #tpu.memory_space<semaphore_mem>>)
    %add3A_17 = arith.constant 400 : i32
    %add3A_18 = arith.addi %mul3A_2, %add3A_17 : i32
    %dma_start3A_19 = arith.constant 1 : i32
    %dma_start3A_20 = arith.constant 0 : i32
    %dma_start3A_21 = arith.constant 0 : i32
    %dma_start3A_22 = tpu.memref_slice %arg5[%dma_start3A_19, %dma_start3A_20, %dma_start3A_21] : memref<2x400x128xf32, #tpu.memory_space<vmem>> -> memref<1x400x128xf32, #tpu.memory_space<vmem>>
    %dma_start3A_23 = tpu.memref_squeeze %dma_start3A_22 : memref<1x400x128xf32, #tpu.memory_space<vmem>> -> memref<400x128xf32, #tpu.memory_space<vmem>>
    %dma_start3A_24 = arith.constant 0 : i32
    %dma_start3A_25 = tpu.memref_slice %arg4[%add3A_18, %dma_start3A_24] : memref<819200x128xf32, #tpu.memory_space<hbm>> -> memref<400x128xf32, #tpu.memory_space<hbm>>
    %dma_start3A_26 = arith.constant 0 : i32
    %dma_start3A_27 = tpu.memref_slice %arg4[%add3A_18, %dma_start3A_26] : memref<819200x128xf32, #tpu.memory_space<hbm>> -> memref<400x128xf32, #tpu.memory_space<hbm>>
    %dma_start3A_28 = arith.constant 0 : i32
    %dma_start3A_29 = arith.constant 0 : i32
    %dma_start3A_30 = tpu.memref_slice %arg5[%dma_start3A_19, %dma_start3A_28, %dma_start3A_29] : memref<2x400x128xf32, #tpu.memory_space<vmem>> -> memref<1x400x128xf32, #tpu.memory_space<vmem>>
    %dma_start3A_31 = tpu.memref_squeeze %dma_start3A_30 : memref<1x400x128xf32, #tpu.memory_space<vmem>> -> memref<400x128xf32, #tpu.memory_space<vmem>>
    tpu.enqueue_dma source(%dma_start3A_31 : memref<400x128xf32, #tpu.memory_space<vmem>>) target(%dma_start3A_27 : memref<400x128xf32, #tpu.memory_space<hbm>>) target_semaphore(%arg7 : memref<!tpu.dma_semaphore, #tpu.memory_space<semaphore_mem>>)
    %scan3A = arith.constant 0 : i32
    %scan3A_32 = arith.constant 0 : i32
    %scan3A_33 = arith.constant 31 : i32
    %scan3A_34 = arith.addi %scan3A_32, %scan3A_33 : i32
    %scan3A_35 = arith.constant 1 : i32
    scf.for %scan3A_62 = %scan3A_32 to %scan3A_34 step %scan3A_35  : i32 {
      %mul3A_63 = arith.constant 2 : i32
      %mul3A_64 = arith.muli %mul3A_63, %scan3A_62 : i32
      %add3A_65 = arith.constant 2 : i32
      %add3A_66 = arith.addi %add3A_65, %mul3A_64 : i32
      %add3A_67 = arith.constant 0 : i32
      %add3A_68 = arith.addi %add3A_66, %add3A_67 : i32
      %dma_wait3A_69 = arith.constant 0 : i32
      %dma_wait3A_70 = arith.constant 0 : i32
      %dma_wait3A_71 = arith.constant 0 : i32
      %dma_wait3A_72 = tpu.memref_slice %arg5[%dma_wait3A_69, %dma_wait3A_70, %dma_wait3A_71] : memref<2x400x128xf32, #tpu.memory_space<vmem>> -> memref<1x400x128xf32, #tpu.memory_space<vmem>>
      %dma_wait3A_73 = tpu.memref_squeeze %dma_wait3A_72 : memref<1x400x128xf32, #tpu.memory_space<vmem>> -> memref<400x128xf32, #tpu.memory_space<vmem>>
      %dma_wait3A_74 = arith.constant 0 : i32
      %dma_wait3A_75 = tpu.memref_slice %arg4[%mul3A_2, %dma_wait3A_74] : memref<819200x128xf32, #tpu.memory_space<hbm>> -> memref<400x128xf32, #tpu.memory_space<hbm>>
      %dma_wait3A_76 = arith.constant 0 : i32
      %dma_wait3A_77 = tpu.memref_slice %arg4[%mul3A_2, %dma_wait3A_76] : memref<819200x128xf32, #tpu.memory_space<hbm>> -> memref<400x128xf32, #tpu.memory_space<hbm>>
      %dma_wait3A_78 = arith.constant 0 : i32
      %dma_wait3A_79 = arith.constant 0 : i32
      %dma_wait3A_80 = tpu.memref_slice %arg5[%dma_wait3A_69, %dma_wait3A_78, %dma_wait3A_79] : memref<2x400x128xf32, #tpu.memory_space<vmem>> -> memref<1x400x128xf32, #tpu.memory_space<vmem>>
      %dma_wait3A_81 = tpu.memref_squeeze %dma_wait3A_80 : memref<1x400x128xf32, #tpu.memory_space<vmem>> -> memref<400x128xf32, #tpu.memory_space<vmem>>
      tpu.wait_dma2 semaphore(%arg6 : memref<!tpu.dma_semaphore, #tpu.memory_space<semaphore_mem>>) src(%dma_wait3A_81 : memref<400x128xf32, #tpu.memory_space<vmem>>) dst(%dma_wait3A_77 : memref<400x128xf32, #tpu.memory_space<hbm>>)
      %mul3A_82 = arith.constant 400 : i32
      %mul3A_83 = arith.muli %add3A_68, %mul3A_82 : i32
      %add3A_84 = arith.addi %mul3A_2, %mul3A_83 : i32
      %dma_start3A_85 = arith.constant 0 : i32
      %dma_start3A_86 = arith.constant 0 : i32
      %dma_start3A_87 = arith.constant 0 : i32
      %dma_start3A_88 = tpu.memref_slice %arg5[%dma_start3A_85, %dma_start3A_86, %dma_start3A_87] : memref<2x400x128xf32, #tpu.memory_space<vmem>> -> memref<1x400x128xf32, #tpu.memory_space<vmem>>
      %dma_start3A_89 = tpu.memref_squeeze %dma_start3A_88 : memref<1x400x128xf32, #tpu.memory_space<vmem>> -> memref<400x128xf32, #tpu.memory_space<vmem>>
      %dma_start3A_90 = arith.constant 0 : i32
      %dma_start3A_91 = tpu.memref_slice %arg4[%add3A_84, %dma_start3A_90] : memref<819200x128xf32, #tpu.memory_space<hbm>> -> memref<400x128xf32, #tpu.memory_space<hbm>>
      %dma_start3A_92 = arith.constant 0 : i32
      %dma_start3A_93 = tpu.memref_slice %arg4[%add3A_84, %dma_start3A_92] : memref<819200x128xf32, #tpu.memory_space<hbm>> -> memref<400x128xf32, #tpu.memory_space<hbm>>
      %dma_start3A_94 = arith.constant 0 : i32
      %dma_start3A_95 = arith.constant 0 : i32
      %dma_start3A_96 = tpu.memref_slice %arg5[%dma_start3A_85, %dma_start3A_94, %dma_start3A_95] : memref<2x400x128xf32, #tpu.memory_space<vmem>> -> memref<1x400x128xf32, #tpu.memory_space<vmem>>
      %dma_start3A_97 = tpu.memref_squeeze %dma_start3A_96 : memref<1x400x128xf32, #tpu.memory_space<vmem>> -> memref<400x128xf32, #tpu.memory_space<vmem>>
      tpu.enqueue_dma source(%dma_start3A_97 : memref<400x128xf32, #tpu.memory_space<vmem>>) target(%dma_start3A_93 : memref<400x128xf32, #tpu.memory_space<hbm>>) target_semaphore(%arg6 : memref<!tpu.dma_semaphore, #tpu.memory_space<semaphore_mem>>)
      %mul3A_98 = arith.constant 2 : i32
      %mul3A_99 = arith.muli %mul3A_98, %scan3A_62 : i32
      %add3A_100 = arith.constant 2 : i32
      %add3A_101 = arith.addi %add3A_100, %mul3A_99 : i32
      %add3A_102 = arith.constant 1 : i32
      %add3A_103 = arith.addi %add3A_101, %add3A_102 : i32
      %dma_wait3A_104 = arith.constant 1 : i32
      %dma_wait3A_105 = arith.constant 0 : i32
      %dma_wait3A_106 = arith.constant 0 : i32
      %dma_wait3A_107 = tpu.memref_slice %arg5[%dma_wait3A_104, %dma_wait3A_105, %dma_wait3A_106] : memref<2x400x128xf32, #tpu.memory_space<vmem>> -> memref<1x400x128xf32, #tpu.memory_space<vmem>>
      %dma_wait3A_108 = tpu.memref_squeeze %dma_wait3A_107 : memref<1x400x128xf32, #tpu.memory_space<vmem>> -> memref<400x128xf32, #tpu.memory_space<vmem>>
      %dma_wait3A_109 = arith.constant 0 : i32
      %dma_wait3A_110 = tpu.memref_slice %arg4[%mul3A_2, %dma_wait3A_109] : memref<819200x128xf32, #tpu.memory_space<hbm>> -> memref<400x128xf32, #tpu.memory_space<hbm>>
      %dma_wait3A_111 = arith.constant 0 : i32
      %dma_wait3A_112 = tpu.memref_slice %arg4[%mul3A_2, %dma_wait3A_111] : memref<819200x128xf32, #tpu.memory_space<hbm>> -> memref<400x128xf32, #tpu.memory_space<hbm>>
      %dma_wait3A_113 = arith.constant 0 : i32
      %dma_wait3A_114 = arith.constant 0 : i32
      %dma_wait3A_115 = tpu.memref_slice %arg5[%dma_wait3A_104, %dma_wait3A_113, %dma_wait3A_114] : memref<2x400x128xf32, #tpu.memory_space<vmem>> -> memref<1x400x128xf32, #tpu.memory_space<vmem>>
      %dma_wait3A_116 = tpu.memref_squeeze %dma_wait3A_115 : memref<1x400x128xf32, #tpu.memory_space<vmem>> -> memref<400x128xf32, #tpu.memory_space<vmem>>
      tpu.wait_dma2 semaphore(%arg7 : memref<!tpu.dma_semaphore, #tpu.memory_space<semaphore_mem>>) src(%dma_wait3A_116 : memref<400x128xf32, #tpu.memory_space<vmem>>) dst(%dma_wait3A_112 : memref<400x128xf32, #tpu.memory_space<hbm>>)
      %mul3A_117 = arith.constant 400 : i32
      %mul3A_118 = arith.muli %add3A_103, %mul3A_117 : i32
      %add3A_119 = arith.addi %mul3A_2, %mul3A_118 : i32
      %dma_start3A_120 = arith.constant 1 : i32
      %dma_start3A_121 = arith.constant 0 : i32
      %dma_start3A_122 = arith.constant 0 : i32
      %dma_start3A_123 = tpu.memref_slice %arg5[%dma_start3A_120, %dma_start3A_121, %dma_start3A_122] : memref<2x400x128xf32, #tpu.memory_space<vmem>> -> memref<1x400x128xf32, #tpu.memory_space<vmem>>
      %dma_start3A_124 = tpu.memref_squeeze %dma_start3A_123 : memref<1x400x128xf32, #tpu.memory_space<vmem>> -> memref<400x128xf32, #tpu.memory_space<vmem>>
      %dma_start3A_125 = arith.constant 0 : i32
      %dma_start3A_126 = tpu.memref_slice %arg4[%add3A_119, %dma_start3A_125] : memref<819200x128xf32, #tpu.memory_space<hbm>> -> memref<400x128xf32, #tpu.memory_space<hbm>>
      %dma_start3A_127 = arith.constant 0 : i32
      %dma_start3A_128 = tpu.memref_slice %arg4[%add3A_119, %dma_start3A_127] : memref<819200x128xf32, #tpu.memory_space<hbm>> -> memref<400x128xf32, #tpu.memory_space<hbm>>
      %dma_start3A_129 = arith.constant 0 : i32
      %dma_start3A_130 = arith.constant 0 : i32
      %dma_start3A_131 = tpu.memref_slice %arg5[%dma_start3A_120, %dma_start3A_129, %dma_start3A_130] : memref<2x400x128xf32, #tpu.memory_space<vmem>> -> memref<1x400x128xf32, #tpu.memory_space<vmem>>
      %dma_start3A_132 = tpu.memref_squeeze %dma_start3A_131 : memref<1x400x128xf32, #tpu.memory_space<vmem>> -> memref<400x128xf32, #tpu.memory_space<vmem>>
      tpu.enqueue_dma source(%dma_start3A_132 : memref<400x128xf32, #tpu.memory_space<vmem>>) target(%dma_start3A_128 : memref<400x128xf32, #tpu.memory_space<hbm>>) target_semaphore(%arg7 : memref<!tpu.dma_semaphore, #tpu.memory_space<semaphore_mem>>)
    }
    %scan3A_36 = arith.constant 31 : i32
    %dma_wait3A = arith.constant 0 : i32
    %dma_wait3A_37 = arith.constant 0 : i32
    %dma_wait3A_38 = arith.constant 0 : i32
    %dma_wait3A_39 = tpu.memref_slice %arg5[%dma_wait3A, %dma_wait3A_37, %dma_wait3A_38] : memref<2x400x128xf32, #tpu.memory_space<vmem>> -> memref<1x400x128xf32, #tpu.memory_space<vmem>>
    %dma_wait3A_40 = tpu.memref_squeeze %dma_wait3A_39 : memref<1x400x128xf32, #tpu.memory_space<vmem>> -> memref<400x128xf32, #tpu.memory_space<vmem>>
    %dma_wait3A_41 = arith.constant 0 : i32
    %dma_wait3A_42 = tpu.memref_slice %arg4[%mul3A_2, %dma_wait3A_41] : memref<819200x128xf32, #tpu.memory_space<hbm>> -> memref<400x128xf32, #tpu.memory_space<hbm>>
    %dma_wait3A_43 = arith.constant 0 : i32
    %dma_wait3A_44 = tpu.memref_slice %arg4[%mul3A_2, %dma_wait3A_43] : memref<819200x128xf32, #tpu.memory_space<hbm>> -> memref<400x128xf32, #tpu.memory_space<hbm>>
    %dma_wait3A_45 = arith.constant 0 : i32
    %dma_wait3A_46 = arith.constant 0 : i32
    %dma_wait3A_47 = tpu.memref_slice %arg5[%dma_wait3A, %dma_wait3A_45, %dma_wait3A_46] : memref<2x400x128xf32, #tpu.memory_space<vmem>> -> memref<1x400x128xf32, #tpu.memory_space<vmem>>
    %dma_wait3A_48 = tpu.memref_squeeze %dma_wait3A_47 : memref<1x400x128xf32, #tpu.memory_space<vmem>> -> memref<400x128xf32, #tpu.memory_space<vmem>>
    tpu.wait_dma2 semaphore(%arg6 : memref<!tpu.dma_semaphore, #tpu.memory_space<semaphore_mem>>) src(%dma_wait3A_48 : memref<400x128xf32, #tpu.memory_space<vmem>>) dst(%dma_wait3A_44 : memref<400x128xf32, #tpu.memory_space<hbm>>)
    %dma_wait3A_49 = arith.constant 1 : i32
    %dma_wait3A_50 = arith.constant 0 : i32
    %dma_wait3A_51 = arith.constant 0 : i32
    %dma_wait3A_52 = tpu.memref_slice %arg5[%dma_wait3A_49, %dma_wait3A_50, %dma_wait3A_51] : memref<2x400x128xf32, #tpu.memory_space<vmem>> -> memref<1x400x128xf32, #tpu.memory_space<vmem>>
    %dma_wait3A_53 = tpu.memref_squeeze %dma_wait3A_52 : memref<1x400x128xf32, #tpu.memory_space<vmem>> -> memref<400x128xf32, #tpu.memory_space<vmem>>
    %dma_wait3A_54 = arith.constant 0 : i32
    %dma_wait3A_55 = tpu.memref_slice %arg4[%mul3A_2, %dma_wait3A_54] : memref<819200x128xf32, #tpu.memory_space<hbm>> -> memref<400x128xf32, #tpu.memory_space<hbm>>
    %dma_wait3A_56 = arith.constant 0 : i32
    %dma_wait3A_57 = tpu.memref_slice %arg4[%mul3A_2, %dma_wait3A_56] : memref<819200x128xf32, #tpu.memory_space<hbm>> -> memref<400x128xf32, #tpu.memory_space<hbm>>
    %dma_wait3A_58 = arith.constant 0 : i32
    %dma_wait3A_59 = arith.constant 0 : i32
    %dma_wait3A_60 = tpu.memref_slice %arg5[%dma_wait3A_49, %dma_wait3A_58, %dma_wait3A_59] : memref<2x400x128xf32, #tpu.memory_space<vmem>> -> memref<1x400x128xf32, #tpu.memory_space<vmem>>
    %dma_wait3A_61 = tpu.memref_squeeze %dma_wait3A_60 : memref<1x400x128xf32, #tpu.memory_space<vmem>> -> memref<400x128xf32, #tpu.memory_space<vmem>>
    tpu.wait_dma2 semaphore(%arg7 : memref<!tpu.dma_semaphore, #tpu.memory_space<semaphore_mem>>) src(%dma_wait3A_61 : memref<400x128xf32, #tpu.memory_space<vmem>>) dst(%dma_wait3A_57 : memref<400x128xf32, #tpu.memory_space<hbm>>)
    return
  }
}

</mosaic_0001>

<sc_bundles>
// kernel: kernel.3.cloned.1.call-start
scs
__scs_entry_jumppad:
0x0: {  	(pc) =	sbr.rel $0x88, $3  }
0x1: {  	(tag) =	ssettag $0x0;
	lr =	simm.s32 $0x1  }
0x2: {  	[smem:$0x3F9F] =	sst lr;
	_ =	strace $0xD0000000  }
0x3: {  	_ = 	snop  }
0x4: {  	_ = 	snop  }
0x5: {  	_ = 	snop  }
0x6: {  	_ = 	snop  }
0x7: {  	_ = 	snop  }
__scs_overlays_trampoline_lowered:
0x8: {  	[smem:$0x3FAE] =	sst s0  }
0x9: {  	[smem:$0x3FAF] =	sst s1  }
0xa: {  	[smem:$0x3FB0] =	sst s2  }
0xb: {  	[smem:$0x3FB1] =	sst s3  }
0xc: {  	[smem:$0x3FB2] =	sst s4  }
0xd: {  	[smem:$0x3FB3] =	sst s5  }
0xe: {  	[smem:$0x3FB4] =	sst s6  }
0xf: {  	[smem:$0x3FB5] =	sst s7  }
0x10: {  	[smem:$0x3FB6] =	sst s8  }
0x11: {  	[smem:$0x3FB7] =	sst s9;
	s0 =	simm.s32 @!p0 $0x0  }
0x12: {  	s1 =	sld [smem:$0x3F9D];
	s0 =	simm.s32 @p0 $0x1  }
0x13: {  	[smem:$0x3FB8] =	sst s0;
	s0 =	simm.s32 @!p1 $0x0  }
0x14: {  	s2 =	sld [smem:$0x3F9C];
	s0 =	simm.s32 @p1 $0x1  }
0x15: {  	[smem:$0x3FB9] =	sst s0;
	s0 =	simm.s32 @!p2 $0x0  }
0x16: {  	s3 =	sld [smem:$0x3FDB];
	s0 =	simm.s32 @p2 $0x1  }
0x17: {  	s4 =	simm.s32 $0x1BF5;
	[smem:$0x3FBB] =	sst s0  }
0x18: {  	s0 =	sld [smem:$0x3F9E];
	_ =	swait.ge [sflag:s4], $0x0  }
0x19: {  	s7 =	sld [smem:$0x3F9F]  }
0x1a: {  	s8 =	sadd.s32 $0xFFFFE003, lr  }
0x1b: {  	s9 =	sadd.s32 $0xFFFFFEF7, lr;
	s5 =	simm.s32 $0xFFFFFFFF;
	p2 =	slt.u32 s8, $0xFFFFF086  }
0x1c: {  	p1 =	slt.u32 s9, $0xF7A;
	s5 =	simm.s32 @!p2 $0x0  }
0x1d: {  	s5 =	simm.s32 @p1 $0x1;
	p0 =	seq.s32 s7, s2  }
0x1e: {  	s7 =	smul.u32 @!p0 $0xF7A, s2;
	p2 =	seq.s32 @!p0 s5, $0x0  }
0x1f: {  	s9 =	smul.u32 $0xF7A, s1;
	s8 =	simm.s32 @!p0 $0x1BF5;
	p2 =	por !p2, p0  }
0x20: {  	[sflag:s8] =	ssyncset.s32 @!p0 $0xFFFFF086;
	s6 =	sadd.s32 @!p0 s3, s7;
	s7 =	simm.s32 @!p0 $0x108  }
0x21: {  	s3 =	sadd.s32 s3, s9;
	s6 =	sadd.s32 @!p0 $0x88, s6;
	s7 =	simm.s32 @p2 $0x1082  }
0x22: {  	[simem:s7], [sflag:s8] =	dma.local @!p0 [hbm:s6], $0xF7A  }
0x23: {  	s9 =	sor.u32 $0xD0000000, s2;
	s6 =	simm.s32 $0x108;
	_ =	swait.ge @!p0 [sflag:s8], $0x0  }
0x24: {  	s3 =	sadd.s32 $0x88, s3;
	s6 =	simm.s32 @!p1 $0x1082;
	[sflag:s4] =	ssyncset.s32 $0xFFFFF086  }
0x25: {  	[simem:s6], [sflag:s4] =	dma.local [hbm:s3], $0xF7A  }
0x26: {  	[smem:$0x3F9F] =	sst s1;
	(tag) =	ssettag s2;
	_ =	strace s9  }
0x27: {  	s1 =	sld [smem:$0x3FAF]  }
0x28: {  	s2 =	sld [smem:$0x3FB0]  }
0x29: {  	s4 =	sld [smem:$0x3FB2]  }
0x2a: {  	p0 =	seq.s32 s5, $0x0;
	s5 =	sld [smem:$0x3FB3]  }
0x2b: {  	s6 =	sld [smem:$0x3FB4]  }
0x2c: {  	s7 =	sld [smem:$0x3FB5]  }
0x2d: {  	s3 =	simm.s32 $0x108;
	s8 =	sld [smem:$0x3FB6]  }
0x2e: {  	s3 =	simm.s32 @!p0 $0x1082;
	s9 =	sld [smem:$0x3FB7]  }
0x2f: {  	lr =	sadd.s32 s0, s3;
	s0 =	sld [smem:$0x3FAE]  }
0x30: {  	s3 =	sld [smem:$0x3FB1]  }
0x31: {  	[smem:$0x3FBA] =	sst s10  }
0x32: {  	s10 =	sld [smem:$0x3FB8];
	_ =	sdelay $0x3  }
0x33: {  	p0 =	seq.s32 s10, $0x1;
	s10 =	sld [smem:$0x3FBA];
	_ =	sdelay $0x3  }
0x34: {  	[smem:$0x3FBA] =	sst s10  }
0x35: {  	s10 =	sld [smem:$0x3FB9];
	_ =	sdelay $0x3  }
0x36: {  	p1 =	seq.s32 s10, $0x1;
	s10 =	sld [smem:$0x3FBA];
	_ =	sdelay $0x3  }
0x37: {  	[smem:$0x3FBA] =	sst s10  }
0x38: {  	s10 =	sld [smem:$0x3FBB]  }
0x39: {  	_ = 	snop;
	(pc) =	sbr.ind lr, $3  }
0x3a: {  	_ = 	snop  }
0x3b: {  	_ = 	snop  }
0x3c: {  	p2 =	seq.s32 s10, $0x1;
	s10 =	sld [smem:$0x3FBA]  }
0x3d: {  	_ =	shalt  }
0x3e: {  	_ =	shalt  }
0x3f: {  	_ =	shalt  }
0x40: {  	_ =	shalt  }
0x41: {  	_ =	shalt  }
0x42: {  	_ =	shalt  }
0x43: {  	_ =	shalt  }
0x44: {  	_ =	shalt  }
0x45: {  	_ =	shalt  }
0x46: {  	_ =	shalt  }
0x47: {  	_ =	shalt  }
0x48: {  	_ =	shalt  }
0x49: {  	_ =	shalt  }
0x4a: {  	_ =	shalt  }
0x4b: {  	_ =	shalt  }
0x4c: {  	_ =	shalt  }
0x4d: {  	_ =	shalt  }
0x4e: {  	_ =	shalt  }
0x4f: {  	_ =	shalt  }
0x50: {  	_ =	shalt  }
0x51: {  	_ =	shalt  }
0x52: {  	_ =	shalt  }
0x53: {  	_ =	shalt  }
0x54: {  	_ =	shalt  }
0x55: {  	_ =	shalt  }
0x56: {  	_ =	shalt  }
0x57: {  	_ =	shalt  }
0x58: {  	_ =	shalt  }
0x59: {  	_ =	shalt  }
0x5a: {  	_ =	shalt  }
0x5b: {  	_ =	shalt  }
0x5c: {  	_ =	shalt  }
0x5d: {  	_ =	shalt  }
0x5e: {  	_ =	shalt  }
0x5f: {  	_ =	shalt  }
0x60: {  	_ =	shalt  }
0x61: {  	_ =	shalt  }
0x62: {  	_ =	shalt  }
0x63: {  	_ =	shalt  }
0x64: {  	_ =	shalt  }
0x65: {  	_ =	shalt  }
0x66: {  	_ =	shalt  }
0x67: {  	_ =	shalt  }
0x68: {  	_ =	shalt  }
0x69: {  	_ =	shalt  }
0x6a: {  	_ =	shalt  }
0x6b: {  	_ =	shalt  }
0x6c: {  	_ =	shalt  }
0x6d: {  	_ =	shalt  }
0x6e: {  	_ =	shalt  }
0x6f: {  	_ =	shalt  }
0x70: {  	_ =	shalt  }
0x71: {  	_ =	shalt  }
0x72: {  	_ =	shalt  }
0x73: {  	_ =	shalt  }
0x74: {  	_ =	shalt  }
0x75: {  	_ =	shalt  }
0x76: {  	_ =	shalt  }
0x77: {  	_ =	shalt  }
0x78: {  	_ =	shalt  }
0x79: {  	_ =	shalt  }
0x7a: {  	_ =	shalt  }
0x7b: {  	_ =	shalt  }
0x7c: {  	_ =	shalt  }
0x7d: {  	_ =	shalt  }
0x7e: {  	_ =	shalt  }
0x7f: {  	_ =	shalt  }
0x80: {  	_ =	shalt  }
0x81: {  	_ =	shalt  }
0x82: {  	_ =	shalt  }
0x83: {  	_ =	shalt  }
0x84: {  	_ =	shalt  }
0x85: {  	_ =	shalt  }
0x86: {  	_ =	shalt  }
0x87: {  	_ =	shalt  }
.Lfunc_end0:
.L_simem_size_0:
called_computation_lowered:
.L_overlay_start_0:
0x88: {  	s2 =	sld [smem:$0x3FD9]  }
0x89: {  	s3 =	sld [smem:$0x3FFE];
	_ =	sdelay $0x1  }
0x8a: {  	s1 =	srdreg.scid  }
0x8b: {  	s0 =	sand.u32 $0x1, s1  }
0x8c: {  	s18 =	sshll.u32 s0, $0xA;
	s2 =	sadd.s32 s3, s2  }
0x8d: {  	s2 =	sadd.s32 s2, s18  }
0x8e: {  	[smem:$0x3FC6] =	sst s2  }
0x8f: {  	_ = 	snop  }
0x90: {  	s2 =	sld [smem:$0x3FD0];
	(tm) =	ssettm $0x1  }
0x91: {  	s19 =	sld [smem:$0x3FFB];
	_ =	sdelay $0x3  }
0x92: {  	_ =	strace s19  }
0x93: {  	s3 =	sld [smem:$0x3FFC];
	_ =	sdelay $0x3  }
0x94: {  	_ =	strace s3  }
0x95: {  	s3 =	sld [smem:$0x3FFD];
	_ =	sdelay $0x3  }
0x96: {  	_ =	strace s3  }
0x97: {  	_ =	strace $0x8FFFFFFF  }
0x98: {  	s20 =	sld [smem:$0x3FDB];
	_ =	sdelay $0x1  }
0x99: {  	s4 =	simm.s32 $_scs_section_size  }
0x9a: {  	s5 =	simm.s32 $_size__tile_overlayer_lowered;
	s6 =	simm.s32 $_tile_overlayer_lowered  }
0x9b: {  	s23 =	simm.s32 $0x1BFF;
	s22 =	sshll.u32 s6, $0x1;
	s3 =	sadd.s32 s4, s20  }
0x9c: {  	s7 =	simm.s32 $0x0;
	s21 =	sshll.u32 s5, $0x1;
	s5 =	sadd.s32 s22, s3  }
0x9d: {  	[timem:s7], [sflag:s23] =	dma.local [hbm:s5], s21  }
0x9e: {  	_ =	swait.ge [sflag:s23], s21  }
0x9f: {  	s4 =	ssub.s32 $0x0, s21;
	[sflag:s23] =	ssyncset.done $0x0  }
0xa0: {  	[sflag:s23] =	ssyncadd.s32 s4;
	_ =	sdelay $0x1  }
0xa1: {  	s24 =	simm.s32 $0x1B8B  }
0xa2: {  	_ =	swait.ge [sflag:s24], $0x1  }
0xa3: {  	[sflag:s24] =	ssyncset.done $0x0  }
0xa4: {  	s25 =	simm.s32 $0x1B8E;
	[sflag:s24] =	ssyncadd.s32 $0xFFFFFFFF  }
0xa5: {  	s26 =	simm.s32 $execute0_lowered;
	[smem:$0x3FD2] =	sst s25  }
0xa6: {  	s4 =	sshll.u32 s26, $0x1;
	_ =	strace $0x80000046;
	[dreg:$0x1] =	wrdreg $0xFFFFFFFF  }
0xa7: {  	s28 =	simm.s32 $_size_execute0_lowered;
	s3 =	sadd.s32 s3, s4;
	[dreg:$0x0] =	wrdreg $0x0  }
0xa8: {  	s4 =	sshll.u32 s28, $0x1;
	[dreg:$0x2] =	wrdreg s3  }
0xa9: {  	[dreg:$0x3] =	wrdreg s4  }
0xaa: {  	[dreg:$0x4] =	wrdreg $0xC0  }
0xab: {  	_ =	task [dreg:s7], $0x5FFFF  }
0xac: {  	[dreg:$0x1] =	wrdreg $0xFFFFFFFF  }
0xad: {  	[dreg:$0x0] =	wrdreg $0x60  }
0xae: {  	[dreg:$0x2] =	wrdreg s2  }
0xaf: {  	[dreg:$0x3] =	wrdreg $0x9  }
0xb0: {  	_ =	task.clear_ibuf [dreg:s7], $0x4FFFF;
	_ =	strace $0x90000046  }
0xb1: {  	s29 =	simm.s32 $0x9;
	_ =	strace $0x80000048  }
0xb2: {  	_ =	swait.ge [sflag:s29], $0x1  }
0xb3: {  	[sflag:s29] =	ssyncadd.s32 $0xFFFFFFFF  }
0xb4: {  	_ =	strace $0x90000048  }
0xb5: {  	_ =	sfence  }
0xb6: {  	s30 =	sld [smem:$0x0];
	_ =	sdelay $0x2  }
0xb7: {  	s31 =	sshll.u32 s1, $0xD;
	s1 =	sshrl.u32 s1, $0x2  }
0xb8: {  	s3 =	sand.u32 $0x4000, s31;
	s1 =	sadd.s32 s1, s30  }
0xb9: {  	s0 =	sor.u32 s3, s0;
	s1 =	sshll.u32 s1, $0x11  }
0xba: {  	s0 =	sor.u32 s1, s0  }
0xbb: {  	s0 =	sadd.s32 $0x8F2B, s0  }
0xbc: {  	[sflag:s0] =	ssyncadd.remote.s32 $0x1  }
0xbd: {  	_ =	sfence.sel $0xFFFF  }
0xbe: {  	[dreg:$0x0] =	wrdreg $0xFFFFFFFF;
	(pc) =	sbr.abs _section_cstart, $3  }
0xbf: {  	[dreg:$0x1] =	wrdreg $0xFFFFFFFF  }
0xc0: {  	_ =	task.clear_ibuf [dreg:s7], $0x2FFFF;
	_ =	strace $0x9FFFFFFF  }
0xc1: {  	(tm) =	ssettm $0x7FFFFFFF  }
tec
execute0_lowered:
.L_overlay_start_1:
0x0: {  	(tag) =	ssettag $0x1  }
0x1: {  	s1 =	srdreg.scid  }
0x2: {  	s0 =	stileid.u32;
	s5 =	rddreg [dreg:$0x0];
	s2 =	simm.s32 $0x0  }
0x3: {  	s10 =	simm.s32 $0x0;
	s4 =	sand.u32 $0x1, s1;
	s1 =	rddreg [dreg:$0x1]  }
0x4: {  	s3 =	sshll.u32 s0, $0x1;
	[smem:$0x7FF] =	sst s2;
	s7 =	smul.u32 $0xC8000, s0  }
0x5: {  	s3 =	sor.u32 s4, s3;
	s6 =	ssub.s32 $0x2, s4;
	s9 =	smul.u32 $0x64000, s4  }
0x6: {  	_ =	strace $0x80000047;
	s3 =	smul.u32 $0x64000, s3;
	s8 =	sshrl.u32 s6, $0x1  }
0x7: {  	s7 =	sadd.s32 s7, s5;
	s6 =	ssub.s32 s6, s8;
	s8 =	simm.s32 $0x1  }
0x8: {  	s3 =	sadd.s32 s5, s3;
	s5 =	smax.u32 s6, $0x1;
	s6 =	sadd.s32 s9, s7  }
0x9: {  	s7 =	simm.s32 $0xC800;
	s9 =	simm.s32 $0x2;
	s4 =	sadd.s32 $0x1900, s3  }
.LBB2_1:
0xa: {  	[hbm4b:s3+s2] =	stream.linear.scatter [tilespmem:s2], [sflag:$0x1], $0xC800, $0x38;
	[tilespmem:$0x19000] =	vst v63  }
0xb: {  	_ = 	snop  }
0xc: {  	[hbm4b:s4+s2] =	stream.linear.scatter [tilespmem:s7], [sflag:$0x2], $0xC800, $0x38;
	[tilespmem:$0x19000] =	vst v63  }
0xd: {  	_ =	swait.ge [sflag:s8], $0xC800  }
0xe: {  	s12 =	sadd.s32 $0xFFF9F200, s6;
	[sflag:s8] =	ssyncset.done $0x0  }
0xf: {  	s11 =	sadd.s32 $0x64000, s12;
	[sflag:s8] =	ssyncadd.s32 $0xFFFF3800  }
0x10: {  	[hbm4b:s11+s2] =	stream.linear.scatter [tilespmem:s2], [sflag:$0x1], $0xC800, $0x38;
	[tilespmem:$0x19000] =	vst v63  }
0x11: {  	_ =	swait.ge [sflag:s9], $0xC800  }
0x12: {  	[sflag:s9] =	ssyncset.done $0x0  }
0x13: {  	s12 =	sadd.s32 $0x65900, s12;
	s11 =	simm.s32 $0xFFFA2400;
	[sflag:s9] =	ssyncadd.s32 $0xFFFF3800  }
.LBB2_2:
0x14: {  	[hbm4b:s12+s2] =	stream.linear.scatter [tilespmem:s7], [sflag:$0x2], $0xC800, $0x38;
	[tilespmem:$0x19000] =	vst v63  }
0x15: {  	s12 =	smov.u32 s11  }
0x16: {  	p0 =	sne.s32 s11, $0xFFFFCE00;
	s11 =	sadd.s32 $0x3200, s11;
	_ =	swait.ge [sflag:s8], $0xC800  }
0x17: {  	s12 =	sadd.s32 s12, s6;
	[sflag:s8] =	ssyncset.done $0x0  }
.Ltmp0:
0x18: {  	s13 =	sadd.s32 $0x64000, s12;
	[sflag:s8] =	ssyncadd.s32 $0xFFFF3800;
	(pc) =	sbr.rel @p0 .LBB2_2-.Ltmp0, $4  }
0x19: {  	[hbm4b:s13+s2] =	stream.linear.scatter [tilespmem:s2], [sflag:$0x1], $0xC800, $0x38;
	[tilespmem:$0x19000] =	vst v63  }
0x1a: {  	_ =	swait.ge [sflag:s9], $0xC800  }
0x1b: {  	[sflag:s9] =	ssyncset.done $0x0  }
0x1c: {  	s12 =	sadd.s32 $0x65900, s12;
	[sflag:s9] =	ssyncadd.s32 $0xFFFF3800  }
0x1d: {  	[hbm4b:s12+s2] =	stream.linear.scatter [tilespmem:s7], [sflag:$0x2], $0xC800, $0x38;
	[tilespmem:$0x19000] =	vst v63  }
0x1e: {  	s10 =	sadd.s32 $0x1, s10  }
0x1f: {  	_ =	swait.ge [sflag:s8], $0xC800;
	p0 =	sne.s32 s10, s5  }
.Ltmp1:
0x20: {  	[sflag:s8] =	ssyncset.done $0x0;
	(pc) =	sbr.rel @p0 .LBB2_1-.Ltmp1, $4  }
0x21: {  	[sflag:s8] =	ssyncadd.s32 $0xFFFF3800  }
0x22: {  	_ =	swait.ge [sflag:s9], $0xC800  }
0x23: {  	[sflag:s9] =	ssyncset.done $0x0  }
0x24: {  	[sflag:s9] =	ssyncadd.s32 $0xFFFF3800  }
0x25: {  	_ =	sfence.sel $0x180000  }
0x26: {  	[bflag:$0x0] =	sbarrier.arrive $0xFFFF  }
0x27: {  	p0 =	sne.s32 s0, $0x0;
	_ =	strace $0x90000047  }
0x28: {  	s0 =	sadd.s32 @!p0 $0x100000, s1;
	[bflag:$0x2] =	sbarrier.arrive $0xFFFF  }
0x29: {  	[sflag:s0] =	ssyncadd.tile.s32 @!p0 $0x1;
	_ =	shalt  }
.Lfunc_end2:
_tile_overlayer_lowered:
.L_overlay_start_2:
0x2a: {  	(tag) =	ssettag $0x2  }
0x2b: {  	s0 =	rddreg [dreg:$0x0];
	s2 =	stileid.u32  }
0x2c: {  	s1 =	rddreg [dreg:$0x1];
	p0 =	sne.s32 s2, $0x0  }
0x2d: {  	s3 =	rddreg [dreg:$0x2];
	[bflag:$0x3] =	sbarrier.arrive $0xFFFF;
	s2 =	simm.s32 @!p0 $0x1C03  }
0x2e: {  	[timem:s3], [sflag:s2] =	dma.local @!p0 [hbm:s0], s1  }
0x2f: {  	s0 =	simm.s32 @!p0 $0x3  }
0x30: {  	_ =	swait.ge @!p0 [sflag:s0], s1  }
0x31: {  	s1 =	ssub.s32 @!p0 $0x0, s1;
	[sflag:s0] =	ssyncset.done @!p0 $0x0  }
0x32: {  	[sflag:s0] =	ssyncadd.s32 @!p0 s1  }
0x33: {  	[bflag:$0x3] =	sbarrier.arrive $0xFFFF  }
0x34: {  	_ =	shalt  }

</sc_bundles>
